<compile_context>
chip_gen: v7x
topology: tpu7x:2x2x1
jax: 0.10.2.dev20260603
libtpu: 0.0.44.dev20260713+nightly
codegen_flags: <defaults>
</compile_context>

<pallas_src>
import jax
import jax.numpy as jnp
from jax import lax
from jax.experimental import pallas as pl
from jax.experimental.pallas import tpu as pltpu
from jax.experimental.pallas import tpu_sc as plsc

NB_TASKS = 1000
D = 128
BATCH = 16384

SC_NC = 1
SC_NS = 1
L = 16


def _sc_body(tid_hbm, w_hbm, b_hbm, out_hbm, idx_v, wrows_v, brows_v, eff_v,
             gsem, gsem2, ssem):
    wid = lax.axis_index("s") * SC_NC + lax.axis_index("c")

    @pl.when(wid == 0)
    def _():
        pltpu.sync_copy(tid_hbm, idx_v)
        wg = pltpu.async_copy(w_hbm.at[idx_v], wrows_v, gsem)
        bg = pltpu.async_copy(b_hbm.at[idx_v], brows_v, gsem2)
        wg.wait()
        bg.wait()

        is0 = idx_v[...] == 0
        for j in range(D // L):
            eff_v[pl.ds(L * j, L)] = (
                jnp.where(is0, 1.0, wrows_v[0, pl.ds(L * j, L)]))
            eff_v[pl.ds(D + L * j, L)] = (
                jnp.where(is0, 0.0, brows_v[0, pl.ds(L * j, L)]))
        pltpu.async_copy(eff_v, out_hbm, ssem).wait()


def _sc_lookup(tid_arr, weight, bias):
    mesh = plsc.VectorSubcoreMesh(core_axis_name="c", subcore_axis_name="s",
                                  num_cores=SC_NC, num_subcores=SC_NS)
    kern = pl.kernel(
        _sc_body,
        out_type=jax.ShapeDtypeStruct((2 * D,), jnp.float32),
        mesh=mesh,
        scratch_types=[
            pltpu.VMEM((L,), jnp.int32),
            pltpu.VMEM((L, D), jnp.float32),
            pltpu.VMEM((L, D), jnp.float32),
            pltpu.VMEM((2 * D,), jnp.float32),
            pltpu.SemaphoreType.DMA,
            pltpu.SemaphoreType.DMA,
            pltpu.SemaphoreType.DMA,
        ],
    )
    return kern(tid_arr, weight, bias)


TC_BLK = 8192


def _tc_body(x_ref, wb_ref, o_ref):
    w_eff = wb_ref[0:1, :]
    b_eff = wb_ref[1:2, :]
    o_ref[...] = x_ref[...] * w_eff + b_eff


def _tc_affine(x, wb):
    return pl.pallas_call(
        _tc_body,
        grid=(BATCH // TC_BLK,),
        in_specs=[
            pl.BlockSpec((TC_BLK, D), lambda i: (i, 0)),
            pl.BlockSpec((2, D), lambda i: (0, 0)),
        ],
        out_specs=pl.BlockSpec((TC_BLK, D), lambda i: (i, 0)),
        out_shape=jax.ShapeDtypeStruct((BATCH, D), jnp.float32),
        compiler_params=pltpu.CompilerParams(
            dimension_semantics=("parallel",)),
    )(x, wb)


@jax.jit
def _affine(x, tid_arr, weight, bias):
    wb = _sc_lookup(tid_arr, weight, bias).reshape(2, D)
    return _tc_affine(x, wb)


def kernel(x, task_id, weight, bias):
    tid_arr = jnp.full((L,), task_id, dtype=jnp.int32)
    return _affine(x, tid_arr, weight, bias)

# --- scband reference (transcript-rebuilt; emitter-appended) ---
"""Pipeline reference for scband-element-linear-37237366456657 (READ-ONLY COPY).

The authoritative reference and input builder live on the scoring server;
editing this copy changes nothing except your own understanding.
"""

import jax, jax.numpy as jnp
import numpy as np

NB_TASKS = 1000
IN_FEATURES = 128
BATCH = 16384


def setup_inputs(seed: int = 0) -> dict:
    key = jax.random.key(seed)
    k1, k2, k3 = jax.random.split(key, 3)
    x = jax.random.normal(k1, (BATCH, IN_FEATURES), dtype=jnp.float32)
    # parameters sized per init_kwargs (kaiming-uniform-ish init; exact distribution not
    # semantically important, just realistic-scale values)
    import math
    bound_w = math.sqrt(6.0 / IN_FEATURES)
    weight = jax.random.uniform(k2, (NB_TASKS, IN_FEATURES), dtype=jnp.float32, minval=-bound_w, maxval=bound_w)
    bound_b = 1.0 / math.sqrt(IN_FEATURES)
    bias = jax.random.uniform(k3, (NB_TASKS, IN_FEATURES), dtype=jnp.float32, minval=-bound_b, maxval=bound_b)
    task_id = 5  # scalar python int, nonzero so the affine path runs
    return {"x": x, "task_id": task_id, "weight": weight, "bias": bias}


def reference(x, task_id, weight, bias):
    # Faithful translation of element_Linear.forward
    w_row = jnp.take(weight, task_id, axis=0).reshape(1, -1)
    b_row = jnp.take(bias, task_id, axis=0).reshape(1, -1)
    return jnp.where(task_id == 0, x, x * w_row + b_row)


if False:  # reference __main__ guard neutralized (emitter)
    inp = setup_inputs()
    out = reference(**inp)
    print(out.shape, out.dtype)

if __name__ == "__main__":
    import jax
    _d = setup_inputs()
    print(jax.jit(kernel)(*tuple(_d.values())))

</pallas_src>

<mosaic_0001>
#map = affine_map<(d0, d1) -> (0)>
#map1 = affine_map<(d0, d1) -> (0, 0)>
module attributes {stable_mosaic.version = 14 : i64} {
  func.func @_sc_body(%arg0: i32, %arg1: i32, %arg2: memref<16xi32, #tpu.memory_space<hbm>>, %arg3: memref<1000x128xf32, #tpu.memory_space<hbm>>, %arg4: memref<1000x128xf32, #tpu.memory_space<hbm>>, %arg5: memref<256xf32, #tpu.memory_space<hbm>>, %arg6: memref<16xi32, #tpu.memory_space<vmem>>, %arg7: memref<16x128xf32, #tpu.memory_space<vmem>>, %arg8: memref<16x128xf32, #tpu.memory_space<vmem>>, %arg9: memref<256xf32, #tpu.memory_space<vmem>>, %arg10: memref<!tpu.dma_semaphore, #tpu.memory_space<semaphore_mem>>, %arg11: memref<!tpu.dma_semaphore, #tpu.memory_space<semaphore_mem>>, %arg12: memref<!tpu.dma_semaphore, #tpu.memory_space<semaphore_mem>>) attributes {dimension_semantics = [#tpu.dimension_semantics<core_parallel>, #tpu.dimension_semantics<subcore_parallel>], iteration_bounds = array<i64: 1, 1>, scalar_prefetch = 0 : i64, scratch_operands = 7 : i64, tpu.core_type = #tpu.core_type<sc_vector_subcore>, window_params = [{transform_indices = #map}, {transform_indices = #map1}, {transform_indices = #map1}, {transform_indices = #map}]} {
    %mul3A = arith.constant 1 : i32
    %mul3A_0 = arith.muli %arg1, %mul3A : i32
    %add3A = arith.addi %mul3A_0, %arg0 : i32
    %eq3A = arith.constant 0 : i32
    %eq3A_1 = arith.cmpi eq, %add3A, %eq3A : i32
    %convert_element_type3A = arith.extui %eq3A_1 : i1 to i32
    %cond3A = arith.constant 0 : i32
    %cond3A_2 = arith.cmpi ne, %convert_element_type3A, %cond3A : i32
    scf.if %cond3A_2 {
      "tpu.region"() ({
        %run_scoped3A = tpu.sem_alloc : memref<!tpu.dma_semaphore, #tpu.memory_space<semaphore_mem>>
        tpu.enqueue_dma source(%arg2 : memref<16xi32, #tpu.memory_space<hbm>>) target(%arg6 : memref<16xi32, #tpu.memory_space<vmem>>) target_semaphore(%run_scoped3A : memref<!tpu.dma_semaphore, #tpu.memory_space<semaphore_mem>>)
        tpu.wait_dma2 semaphore(%run_scoped3A : memref<!tpu.dma_semaphore, #tpu.memory_space<semaphore_mem>>) src(%arg2 : memref<16xi32, #tpu.memory_space<hbm>>) dst(%arg6 : memref<16xi32, #tpu.memory_space<vmem>>)
        tpu.yield
      }) : () -> ()
      %dma_start3A = arith.constant 0 : i32
      %dma_start3A_3 = arith.constant 0 : i32
      %dma_start3A_4 = tpu.memref_slice %arg3[%dma_start3A, %dma_start3A_3] : memref<1000x128xf32, #tpu.memory_space<hbm>> -> memref<1000x128xf32, #tpu.memory_space<hbm>>
      tpu.enqueue_indirect_dma source(%dma_start3A_4 : memref<1000x128xf32, #tpu.memory_space<hbm>>) target(%arg7 : memref<16x128xf32, #tpu.memory_space<vmem>>) offsets(%arg6 : memref<16xi32, #tpu.memory_space<vmem>>) semaphore(%arg10 : memref<!tpu.dma_semaphore, #tpu.memory_space<semaphore_mem>>)
      %dma_start3A_5 = arith.constant 0 : i32
      %dma_start3A_6 = arith.constant 0 : i32
      %dma_start3A_7 = tpu.memref_slice %arg4[%dma_start3A_5, %dma_start3A_6] : memref<1000x128xf32, #tpu.memory_space<hbm>> -> memref<1000x128xf32, #tpu.memory_space<hbm>>
      tpu.enqueue_indirect_dma source(%dma_start3A_7 : memref<1000x128xf32, #tpu.memory_space<hbm>>) target(%arg8 : memref<16x128xf32, #tpu.memory_space<vmem>>) offsets(%arg6 : memref<16xi32, #tpu.memory_space<vmem>>) semaphore(%arg11 : memref<!tpu.dma_semaphore, #tpu.memory_space<semaphore_mem>>)
      %dma_wait3A = arith.constant 0 : i32
      %dma_wait3A_8 = arith.constant 0 : i32
      %dma_wait3A_9 = tpu.memref_slice %arg3[%dma_wait3A, %dma_wait3A_8] : memref<1000x128xf32, #tpu.memory_space<hbm>> -> memref<1000x128xf32, #tpu.memory_space<hbm>>
      tpu.wait_indirect_dma semaphore(%arg10 : memref<!tpu.dma_semaphore, #tpu.memory_space<semaphore_mem>>) src(%dma_wait3A_9 : memref<1000x128xf32, #tpu.memory_space<hbm>>) dst(%arg7 : memref<16x128xf32, #tpu.memory_space<vmem>>)
      %dma_wait3A_10 = arith.constant 0 : i32
      %dma_wait3A_11 = arith.constant 0 : i32
      %dma_wait3A_12 = tpu.memref_slice %arg4[%dma_wait3A_10, %dma_wait3A_11] : memref<1000x128xf32, #tpu.memory_space<hbm>> -> memref<1000x128xf32, #tpu.memory_space<hbm>>
      tpu.wait_indirect_dma semaphore(%arg11 : memref<!tpu.dma_semaphore, #tpu.memory_space<semaphore_mem>>) src(%dma_wait3A_12 : memref<1000x128xf32, #tpu.memory_space<hbm>>) dst(%arg8 : memref<16x128xf32, #tpu.memory_space<vmem>>)
      %get3A = arith.constant 0 : index
      %get3A_13 = tpu.vector_load %arg6[%get3A] {strides = array<i32>} : memref<16xi32, #tpu.memory_space<vmem>>, vector<16xi32>,
      %get3A_14 = vector.shape_cast %get3A_13 : vector<16xi32> to vector<16xi32>
      %eq3A_15 = arith.constant 0 : i32
      %eq3A_16 = vector.broadcast %eq3A_15 : i32 to vector<16xi32>
      %eq3A_17 = arith.cmpi eq, %get3A_14, %eq3A_16 : vector<16xi32>
      %get3A_18 = arith.constant 0 : i32
      %get3A_19 = arith.index_cast %get3A_18 : i32 to index
      %get3A_20 = arith.constant 0 : index
      %get3A_21 = tpu.vector_load %arg7[%get3A_19, %get3A_20] {strides = array<i32>} : memref<16x128xf32, #tpu.memory_space<vmem>>, vector<1x16xf32>,
      %get3A_22 = vector.shape_cast %get3A_21 : vector<1x16xf32> to vector<16xf32>
      %jit3A = arith.constant 1.000000e+00 : f32
      %broadcast_in_dim3A = vector.broadcast %jit3A : f32 to vector<16xf32>
      %select_n3A = arith.select %eq3A_17, %broadcast_in_dim3A, %get3A_22 : vector<16xi1>, vector<16xf32>
      %swap3A = arith.constant 0 : index
      %swap3A_23 = tpu.vector_load %arg9[%swap3A] {strides = array<i32>} : memref<256xf32, #tpu.memory_space<vmem>>, vector<16xf32>,
      %swap3A_24 = vector.shape_cast %swap3A_23 : vector<16xf32> to vector<16xf32>
      %swap3A_25 = vector.shape_cast %select_n3A : vector<16xf32> to vector<16xf32>
      tpu.vector_store %arg9[%swap3A], %swap3A_25 {strides = array<i32>} : memref<256xf32, #tpu.memory_space<vmem>>, vector<16xf32>,
      %get3A_26 = arith.constant 0 : i32
      %get3A_27 = arith.index_cast %get3A_26 : i32 to index
      %get3A_28 = arith.constant 0 : index
      %get3A_29 = tpu.vector_load %arg8[%get3A_27, %get3A_28] {strides = array<i32>} : memref<16x128xf32, #tpu.memory_space<vmem>>, vector<1x16xf32>,
      %get3A_30 = vector.shape_cast %get3A_29 : vector<1x16xf32> to vector<16xf32>
      %jit3A_31 = arith.constant 0.000000e+00 : f32
      %broadcast_in_dim3A_32 = vector.broadcast %jit3A_31 : f32 to vector<16xf32>
      %select_n3A_33 = arith.select %eq3A_17, %broadcast_in_dim3A_32, %get3A_30 : vector<16xi1>, vector<16xf32>
      %swap3A_34 = arith.constant 128 : index
      %swap3A_35 = tpu.vector_load %arg9[%swap3A_34] {strides = array<i32>} : memref<256xf32, #tpu.memory_space<vmem>>, vector<16xf32>,
      %swap3A_36 = vector.shape_cast %swap3A_35 : vector<16xf32> to vector<16xf32>
      %swap3A_37 = vector.shape_cast %select_n3A_33 : vector<16xf32> to vector<16xf32>
      tpu.vector_store %arg9[%swap3A_34], %swap3A_37 {strides = array<i32>} : memref<256xf32, #tpu.memory_space<vmem>>, vector<16xf32>,
      %get3A_38 = arith.constant 0 : i32
      %get3A_39 = arith.index_cast %get3A_38 : i32 to index
      %get3A_40 = arith.constant 16 : index
      %get3A_41 = tpu.vector_load %arg7[%get3A_39, %get3A_40] {strides = array<i32>} : memref<16x128xf32, #tpu.memory_space<vmem>>, vector<1x16xf32>,
      %get3A_42 = vector.shape_cast %get3A_41 : vector<1x16xf32> to vector<16xf32>
      %jit3A_43 = arith.constant 1.000000e+00 : f32
      %broadcast_in_dim3A_44 = vector.broadcast %jit3A_43 : f32 to vector<16xf32>
      %select_n3A_45 = arith.select %eq3A_17, %broadcast_in_dim3A_44, %get3A_42 : vector<16xi1>, vector<16xf32>
      %swap3A_46 = arith.constant 16 : index
      %swap3A_47 = tpu.vector_load %arg9[%swap3A_46] {strides = array<i32>} : memref<256xf32, #tpu.memory_space<vmem>>, vector<16xf32>,
      %swap3A_48 = vector.shape_cast %swap3A_47 : vector<16xf32> to vector<16xf32>
      %swap3A_49 = vector.shape_cast %select_n3A_45 : vector<16xf32> to vector<16xf32>
      tpu.vector_store %arg9[%swap3A_46], %swap3A_49 {strides = array<i32>} : memref<256xf32, #tpu.memory_space<vmem>>, vector<16xf32>,
      %get3A_50 = arith.constant 0 : i32
      %get3A_51 = arith.index_cast %get3A_50 : i32 to index
      %get3A_52 = arith.constant 16 : index
      %get3A_53 = tpu.vector_load %arg8[%get3A_51, %get3A_52] {strides = array<i32>} : memref<16x128xf32, #tpu.memory_space<vmem>>, vector<1x16xf32>,
      %get3A_54 = vector.shape_cast %get3A_53 : vector<1x16xf32> to vector<16xf32>
      %jit3A_55 = arith.constant 0.000000e+00 : f32
      %broadcast_in_dim3A_56 = vector.broadcast %jit3A_55 : f32 to vector<16xf32>
      %select_n3A_57 = arith.select %eq3A_17, %broadcast_in_dim3A_56, %get3A_54 : vector<16xi1>, vector<16xf32>
      %swap3A_58 = arith.constant 144 : index
      %swap3A_59 = tpu.vector_load %arg9[%swap3A_58] {strides = array<i32>} : memref<256xf32, #tpu.memory_space<vmem>>, vector<16xf32>,
      %swap3A_60 = vector.shape_cast %swap3A_59 : vector<16xf32> to vector<16xf32>
      %swap3A_61 = vector.shape_cast %select_n3A_57 : vector<16xf32> to vector<16xf32>
      tpu.vector_store %arg9[%swap3A_58], %swap3A_61 {strides = array<i32>} : memref<256xf32, #tpu.memory_space<vmem>>, vector<16xf32>,
      %get3A_62 = arith.constant 0 : i32
      %get3A_63 = arith.index_cast %get3A_62 : i32 to index
      %get3A_64 = arith.constant 32 : index
      %get3A_65 = tpu.vector_load %arg7[%get3A_63, %get3A_64] {strides = array<i32>} : memref<16x128xf32, #tpu.memory_space<vmem>>, vector<1x16xf32>,
      %get3A_66 = vector.shape_cast %get3A_65 : vector<1x16xf32> to vector<16xf32>
      %jit3A_67 = arith.constant 1.000000e+00 : f32
      %broadcast_in_dim3A_68 = vector.broadcast %jit3A_67 : f32 to vector<16xf32>
      %select_n3A_69 = arith.select %eq3A_17, %broadcast_in_dim3A_68, %get3A_66 : vector<16xi1>, vector<16xf32>
      %swap3A_70 = arith.constant 32 : index
      %swap3A_71 = tpu.vector_load %arg9[%swap3A_70] {strides = array<i32>} : memref<256xf32, #tpu.memory_space<vmem>>, vector<16xf32>,
      %swap3A_72 = vector.shape_cast %swap3A_71 : vector<16xf32> to vector<16xf32>
      %swap3A_73 = vector.shape_cast %select_n3A_69 : vector<16xf32> to vector<16xf32>
      tpu.vector_store %arg9[%swap3A_70], %swap3A_73 {strides = array<i32>} : memref<256xf32, #tpu.memory_space<vmem>>, vector<16xf32>,
      %get3A_74 = arith.constant 0 : i32
      %get3A_75 = arith.index_cast %get3A_74 : i32 to index
      %get3A_76 = arith.constant 32 : index
      %get3A_77 = tpu.vector_load %arg8[%get3A_75, %get3A_76] {strides = array<i32>} : memref<16x128xf32, #tpu.memory_space<vmem>>, vector<1x16xf32>,
      %get3A_78 = vector.shape_cast %get3A_77 : vector<1x16xf32> to vector<16xf32>
      %jit3A_79 = arith.constant 0.000000e+00 : f32
      %broadcast_in_dim3A_80 = vector.broadcast %jit3A_79 : f32 to vector<16xf32>
      %select_n3A_81 = arith.select %eq3A_17, %broadcast_in_dim3A_80, %get3A_78 : vector<16xi1>, vector<16xf32>
      %swap3A_82 = arith.constant 160 : index
      %swap3A_83 = tpu.vector_load %arg9[%swap3A_82] {strides = array<i32>} : memref<256xf32, #tpu.memory_space<vmem>>, vector<16xf32>,
      %swap3A_84 = vector.shape_cast %swap3A_83 : vector<16xf32> to vector<16xf32>
      %swap3A_85 = vector.shape_cast %select_n3A_81 : vector<16xf32> to vector<16xf32>
      tpu.vector_store %arg9[%swap3A_82], %swap3A_85 {strides = array<i32>} : memref<256xf32, #tpu.memory_space<vmem>>, vector<16xf32>,
      %get3A_86 = arith.constant 0 : i32
      %get3A_87 = arith.index_cast %get3A_86 : i32 to index
      %get3A_88 = arith.constant 48 : index
      %get3A_89 = tpu.vector_load %arg7[%get3A_87, %get3A_88] {strides = array<i32>} : memref<16x128xf32, #tpu.memory_space<vmem>>, vector<1x16xf32>,
      %get3A_90 = vector.shape_cast %get3A_89 : vector<1x16xf32> to vector<16xf32>
      %jit3A_91 = arith.constant 1.000000e+00 : f32
      %broadcast_in_dim3A_92 = vector.broadcast %jit3A_91 : f32 to vector<16xf32>
      %select_n3A_93 = arith.select %eq3A_17, %broadcast_in_dim3A_92, %get3A_90 : vector<16xi1>, vector<16xf32>
      %swap3A_94 = arith.constant 48 : index
      %swap3A_95 = tpu.vector_load %arg9[%swap3A_94] {strides = array<i32>} : memref<256xf32, #tpu.memory_space<vmem>>, vector<16xf32>,
      %swap3A_96 = vector.shape_cast %swap3A_95 : vector<16xf32> to vector<16xf32>
      %swap3A_97 = vector.shape_cast %select_n3A_93 : vector<16xf32> to vector<16xf32>
      tpu.vector_store %arg9[%swap3A_94], %swap3A_97 {strides = array<i32>} : memref<256xf32, #tpu.memory_space<vmem>>, vector<16xf32>,
      %get3A_98 = arith.constant 0 : i32
      %get3A_99 = arith.index_cast %get3A_98 : i32 to index
      %get3A_100 = arith.constant 48 : index
      %get3A_101 = tpu.vector_load %arg8[%get3A_99, %get3A_100] {strides = array<i32>} : memref<16x128xf32, #tpu.memory_space<vmem>>, vector<1x16xf32>,
      %get3A_102 = vector.shape_cast %get3A_101 : vector<1x16xf32> to vector<16xf32>
      %jit3A_103 = arith.constant 0.000000e+00 : f32
      %broadcast_in_dim3A_104 = vector.broadcast %jit3A_103 : f32 to vector<16xf32>
      %select_n3A_105 = arith.select %eq3A_17, %broadcast_in_dim3A_104, %get3A_102 : vector<16xi1>, vector<16xf32>
      %swap3A_106 = arith.constant 176 : index
      %swap3A_107 = tpu.vector_load %arg9[%swap3A_106] {strides = array<i32>} : memref<256xf32, #tpu.memory_space<vmem>>, vector<16xf32>,
      %swap3A_108 = vector.shape_cast %swap3A_107 : vector<16xf32> to vector<16xf32>
      %swap3A_109 = vector.shape_cast %select_n3A_105 : vector<16xf32> to vector<16xf32>
      tpu.vector_store %arg9[%swap3A_106], %swap3A_109 {strides = array<i32>} : memref<256xf32, #tpu.memory_space<vmem>>, vector<16xf32>,
      %get3A_110 = arith.constant 0 : i32
      %get3A_111 = arith.index_cast %get3A_110 : i32 to index
      %get3A_112 = arith.constant 64 : index
      %get3A_113 = tpu.vector_load %arg7[%get3A_111, %get3A_112] {strides = array<i32>} : memref<16x128xf32, #tpu.memory_space<vmem>>, vector<1x16xf32>,
      %get3A_114 = vector.shape_cast %get3A_113 : vector<1x16xf32> to vector<16xf32>
      %jit3A_115 = arith.constant 1.000000e+00 : f32
      %broadcast_in_dim3A_116 = vector.broadcast %jit3A_115 : f32 to vector<16xf32>
      %select_n3A_117 = arith.select %eq3A_17, %broadcast_in_dim3A_116, %get3A_114 : vector<16xi1>, vector<16xf32>
      %swap3A_118 = arith.constant 64 : index
      %swap3A_119 = tpu.vector_load %arg9[%swap3A_118] {strides = array<i32>} : memref<256xf32, #tpu.memory_space<vmem>>, vector<16xf32>,
      %swap3A_120 = vector.shape_cast %swap3A_119 : vector<16xf32> to vector<16xf32>
      %swap3A_121 = vector.shape_cast %select_n3A_117 : vector<16xf32> to vector<16xf32>
      tpu.vector_store %arg9[%swap3A_118], %swap3A_121 {strides = array<i32>} : memref<256xf32, #tpu.memory_space<vmem>>, vector<16xf32>,
      %get3A_122 = arith.constant 0 : i32
      %get3A_123 = arith.index_cast %get3A_122 : i32 to index
      %get3A_124 = arith.constant 64 : index
      %get3A_125 = tpu.vector_load %arg8[%get3A_123, %get3A_124] {strides = array<i32>} : memref<16x128xf32, #tpu.memory_space<vmem>>, vector<1x16xf32>,
      %get3A_126 = vector.shape_cast %get3A_125 : vector<1x16xf32> to vector<16xf32>
      %jit3A_127 = arith.constant 0.000000e+00 : f32
      %broadcast_in_dim3A_128 = vector.broadcast %jit3A_127 : f32 to vector<16xf32>
      %select_n3A_129 = arith.select %eq3A_17, %broadcast_in_dim3A_128, %get3A_126 : vector<16xi1>, vector<16xf32>
      %swap3A_130 = arith.constant 192 : index
      %swap3A_131 = tpu.vector_load %arg9[%swap3A_130] {strides = array<i32>} : memref<256xf32, #tpu.memory_space<vmem>>, vector<16xf32>,
      %swap3A_132 = vector.shape_cast %swap3A_131 : vector<16xf32> to vector<16xf32>
      %swap3A_133 = vector.shape_cast %select_n3A_129 : vector<16xf32> to vector<16xf32>
      tpu.vector_store %arg9[%swap3A_130], %swap3A_133 {strides = array<i32>} : memref<256xf32, #tpu.memory_space<vmem>>, vector<16xf32>,
      %get3A_134 = arith.constant 0 : i32
      %get3A_135 = arith.index_cast %get3A_134 : i32 to index
      %get3A_136 = arith.constant 80 : index
      %get3A_137 = tpu.vector_load %arg7[%get3A_135, %get3A_136] {strides = array<i32>} : memref<16x128xf32, #tpu.memory_space<vmem>>, vector<1x16xf32>,
      %get3A_138 = vector.shape_cast %get3A_137 : vector<1x16xf32> to vector<16xf32>
      %jit3A_139 = arith.constant 1.000000e+00 : f32
      %broadcast_in_dim3A_140 = vector.broadcast %jit3A_139 : f32 to vector<16xf32>
      %select_n3A_141 = arith.select %eq3A_17, %broadcast_in_dim3A_140, %get3A_138 : vector<16xi1>, vector<16xf32>
      %swap3A_142 = arith.constant 80 : index
      %swap3A_143 = tpu.vector_load %arg9[%swap3A_142] {strides = array<i32>} : memref<256xf32, #tpu.memory_space<vmem>>, vector<16xf32>,
      %swap3A_144 = vector.shape_cast %swap3A_143 : vector<16xf32> to vector<16xf32>
      %swap3A_145 = vector.shape_cast %select_n3A_141 : vector<16xf32> to vector<16xf32>
      tpu.vector_store %arg9[%swap3A_142], %swap3A_145 {strides = array<i32>} : memref<256xf32, #tpu.memory_space<vmem>>, vector<16xf32>,
      %get3A_146 = arith.constant 0 : i32
      %get3A_147 = arith.index_cast %get3A_146 : i32 to index
      %get3A_148 = arith.constant 80 : index
      %get3A_149 = tpu.vector_load %arg8[%get3A_147, %get3A_148] {strides = array<i32>} : memref<16x128xf32, #tpu.memory_space<vmem>>, vector<1x16xf32>,
      %get3A_150 = vector.shape_cast %get3A_149 : vector<1x16xf32> to vector<16xf32>
      %jit3A_151 = arith.constant 0.000000e+00 : f32
      %broadcast_in_dim3A_152 = vector.broadcast %jit3A_151 : f32 to vector<16xf32>
      %select_n3A_153 = arith.select %eq3A_17, %broadcast_in_dim3A_152, %get3A_150 : vector<16xi1>, vector<16xf32>
      %swap3A_154 = arith.constant 208 : index
      %swap3A_155 = tpu.vector_load %arg9[%swap3A_154] {strides = array<i32>} : memref<256xf32, #tpu.memory_space<vmem>>, vector<16xf32>,
      %swap3A_156 = vector.shape_cast %swap3A_155 : vector<16xf32> to vector<16xf32>
      %swap3A_157 = vector.shape_cast %select_n3A_153 : vector<16xf32> to vector<16xf32>
      tpu.vector_store %arg9[%swap3A_154], %swap3A_157 {strides = array<i32>} : memref<256xf32, #tpu.memory_space<vmem>>, vector<16xf32>,
      %get3A_158 = arith.constant 0 : i32
      %get3A_159 = arith.index_cast %get3A_158 : i32 to index
      %get3A_160 = arith.constant 96 : index
      %get3A_161 = tpu.vector_load %arg7[%get3A_159, %get3A_160] {strides = array<i32>} : memref<16x128xf32, #tpu.memory_space<vmem>>, vector<1x16xf32>,
      %get3A_162 = vector.shape_cast %get3A_161 : vector<1x16xf32> to vector<16xf32>
      %jit3A_163 = arith.constant 1.000000e+00 : f32
      %broadcast_in_dim3A_164 = vector.broadcast %jit3A_163 : f32 to vector<16xf32>
      %select_n3A_165 = arith.select %eq3A_17, %broadcast_in_dim3A_164, %get3A_162 : vector<16xi1>, vector<16xf32>
      %swap3A_166 = arith.constant 96 : index
      %swap3A_167 = tpu.vector_load %arg9[%swap3A_166] {strides = array<i32>} : memref<256xf32, #tpu.memory_space<vmem>>, vector<16xf32>,
      %swap3A_168 = vector.shape_cast %swap3A_167 : vector<16xf32> to vector<16xf32>
      %swap3A_169 = vector.shape_cast %select_n3A_165 : vector<16xf32> to vector<16xf32>
      tpu.vector_store %arg9[%swap3A_166], %swap3A_169 {strides = array<i32>} : memref<256xf32, #tpu.memory_space<vmem>>, vector<16xf32>,
      %get3A_170 = arith.constant 0 : i32
      %get3A_171 = arith.index_cast %get3A_170 : i32 to index
      %get3A_172 = arith.constant 96 : index
      %get3A_173 = tpu.vector_load %arg8[%get3A_171, %get3A_172] {strides = array<i32>} : memref<16x128xf32, #tpu.memory_space<vmem>>, vector<1x16xf32>,
      %get3A_174 = vector.shape_cast %get3A_173 : vector<1x16xf32> to vector<16xf32>
      %jit3A_175 = arith.constant 0.000000e+00 : f32
      %broadcast_in_dim3A_176 = vector.broadcast %jit3A_175 : f32 to vector<16xf32>
      %select_n3A_177 = arith.select %eq3A_17, %broadcast_in_dim3A_176, %get3A_174 : vector<16xi1>, vector<16xf32>
      %swap3A_178 = arith.constant 224 : index
      %swap3A_179 = tpu.vector_load %arg9[%swap3A_178] {strides = array<i32>} : memref<256xf32, #tpu.memory_space<vmem>>, vector<16xf32>,
      %swap3A_180 = vector.shape_cast %swap3A_179 : vector<16xf32> to vector<16xf32>
      %swap3A_181 = vector.shape_cast %select_n3A_177 : vector<16xf32> to vector<16xf32>
      tpu.vector_store %arg9[%swap3A_178], %swap3A_181 {strides = array<i32>} : memref<256xf32, #tpu.memory_space<vmem>>, vector<16xf32>,
      %get3A_182 = arith.constant 0 : i32
      %get3A_183 = arith.index_cast %get3A_182 : i32 to index
      %get3A_184 = arith.constant 112 : index
      %get3A_185 = tpu.vector_load %arg7[%get3A_183, %get3A_184] {strides = array<i32>} : memref<16x128xf32, #tpu.memory_space<vmem>>, vector<1x16xf32>,
      %get3A_186 = vector.shape_cast %get3A_185 : vector<1x16xf32> to vector<16xf32>
      %jit3A_187 = arith.constant 1.000000e+00 : f32
      %broadcast_in_dim3A_188 = vector.broadcast %jit3A_187 : f32 to vector<16xf32>
      %select_n3A_189 = arith.select %eq3A_17, %broadcast_in_dim3A_188, %get3A_186 : vector<16xi1>, vector<16xf32>
      %swap3A_190 = arith.constant 112 : index
      %swap3A_191 = tpu.vector_load %arg9[%swap3A_190] {strides = array<i32>} : memref<256xf32, #tpu.memory_space<vmem>>, vector<16xf32>,
      %swap3A_192 = vector.shape_cast %swap3A_191 : vector<16xf32> to vector<16xf32>
      %swap3A_193 = vector.shape_cast %select_n3A_189 : vector<16xf32> to vector<16xf32>
      tpu.vector_store %arg9[%swap3A_190], %swap3A_193 {strides = array<i32>} : memref<256xf32, #tpu.memory_space<vmem>>, vector<16xf32>,
      %get3A_194 = arith.constant 0 : i32
      %get3A_195 = arith.index_cast %get3A_194 : i32 to index
      %get3A_196 = arith.constant 112 : index
      %get3A_197 = tpu.vector_load %arg8[%get3A_195, %get3A_196] {strides = array<i32>} : memref<16x128xf32, #tpu.memory_space<vmem>>, vector<1x16xf32>,
      %get3A_198 = vector.shape_cast %get3A_197 : vector<1x16xf32> to vector<16xf32>
      %jit3A_199 = arith.constant 0.000000e+00 : f32
      %broadcast_in_dim3A_200 = vector.broadcast %jit3A_199 : f32 to vector<16xf32>
      %select_n3A_201 = arith.select %eq3A_17, %broadcast_in_dim3A_200, %get3A_198 : vector<16xi1>, vector<16xf32>
      %swap3A_202 = arith.constant 240 : index
      %swap3A_203 = tpu.vector_load %arg9[%swap3A_202] {strides = array<i32>} : memref<256xf32, #tpu.memory_space<vmem>>, vector<16xf32>,
      %swap3A_204 = vector.shape_cast %swap3A_203 : vector<16xf32> to vector<16xf32>
      %swap3A_205 = vector.shape_cast %select_n3A_201 : vector<16xf32> to vector<16xf32>
      tpu.vector_store %arg9[%swap3A_202], %swap3A_205 {strides = array<i32>} : memref<256xf32, #tpu.memory_space<vmem>>, vector<16xf32>,
      tpu.enqueue_dma source(%arg9 : memref<256xf32, #tpu.memory_space<vmem>>) target(%arg5 : memref<256xf32, #tpu.memory_space<hbm>>) target_semaphore(%arg12 : memref<!tpu.dma_semaphore, #tpu.memory_space<semaphore_mem>>)
      tpu.wait_dma2 semaphore(%arg12 : memref<!tpu.dma_semaphore, #tpu.memory_space<semaphore_mem>>) src(%arg9 : memref<256xf32, #tpu.memory_space<vmem>>) dst(%arg5 : memref<256xf32, #tpu.memory_space<hbm>>)
    } else {
    }
    return
  }
}

module attributes {stable_mosaic.version = 14 : i64} {
  func.func @_tc_body(%arg0: i32, %arg1: memref<8192x128xf32, #tpu.memory_space<vmem>>, %arg2: memref<2x128xf32, #tpu.memory_space<vmem>>, %arg3: memref<8192x128xf32, #tpu.memory_space<vmem>>) attributes {dimension_semantics = [#tpu.dimension_semantics<parallel>], iteration_bounds = array<i64: 2>, scalar_prefetch = 0 : i64, scratch_operands = 0 : i64, tpu.core_type = #tpu.core_type<tc>, window_params = [{transform_indices = @transform_0, window_bounds = array<i64: 8192, 128>}, {pipeline_mode = #tpu.pipeline_mode<synchronous>, transform_indices = @transform_1, window_bounds = array<i64: 2, 128>}, {transform_indices = @transform_2, window_bounds = array<i64: 8192, 128>}]} {
    %get3A = arith.constant 0 : index
    %get3A_0 = arith.constant 0 : index
    %get3A_1 = vector.load %arg2[%get3A, %get3A_0] : memref<2x128xf32, #tpu.memory_space<vmem>>, vector<1x128xf32>
    %get3A_2 = arith.constant 1 : index
    %get3A_3 = arith.constant 0 : index
    %get3A_4 = vector.load %arg2[%get3A_2, %get3A_3] : memref<2x128xf32, #tpu.memory_space<vmem>>, vector<1x128xf32>
    %get3A_5 = arith.constant 0 : index
    %get3A_6 = arith.constant 0 : index
    %get3A_7 = vector.load %arg1[%get3A_5, %get3A_6] : memref<8192x128xf32, #tpu.memory_space<vmem>>, vector<8192x128xf32>
    %mul3A = vector.broadcast %get3A_1 : vector<1x128xf32> to vector<8192x128xf32>
    %mul3A_8 = arith.mulf %get3A_7, %mul3A : vector<8192x128xf32>
    %add3A = vector.broadcast %get3A_4 : vector<1x128xf32> to vector<8192x128xf32>
    %add3A_9 = arith.addf %mul3A_8, %add3A : vector<8192x128xf32>
    %swap3A = arith.constant 0 : index
    %swap3A_10 = arith.constant 0 : index
    %swap3A_11 = vector.load %arg3[%swap3A, %swap3A_10] : memref<8192x128xf32, #tpu.memory_space<vmem>>, vector<8192x128xf32>
    tpu.vector_store %arg3[%swap3A, %swap3A_10], %add3A_9 {strides = array<i32>} : memref<8192x128xf32, #tpu.memory_space<vmem>>, vector<8192x128xf32>,
    return
  }
  func.func @transform_0(%arg0: i32) -> (i32, i32) {
    %c0_i32 = arith.constant 0 : i32
    %c0_i32_0 = arith.constant 0 : i32
    return %arg0, %c0_i32 : i32, i32
  }
  func.func @transform_1(%arg0: i32) -> (i32, i32) {
    %c0_i32 = arith.constant 0 : i32
    %c0_i32_0 = arith.constant 0 : i32
    %c0_i32_1 = arith.constant 0 : i32
    return %c0_i32, %c0_i32_0 : i32, i32
  }
  func.func @transform_2(%arg0: i32) -> (i32, i32) {
    %c0_i32 = arith.constant 0 : i32
    %c0_i32_0 = arith.constant 0 : i32
    return %arg0, %c0_i32 : i32, i32
  }
}

</mosaic_0001>

<sc_bundles>
// kernel: _affine.4.cloned.1.call-start
scs
__scs_entry_jumppad:
0x0: {  	(pc) =	sbr.rel $0x88, $3  }
0x1: {  	(tag) =	ssettag $0x0;
	lr =	simm.s32 $0x1  }
0x2: {  	[smem:$0x3F9D] =	sst lr;
	_ =	strace $0xD0000000  }
0x3: {  	_ = 	snop  }
0x4: {  	_ = 	snop  }
0x5: {  	_ = 	snop  }
0x6: {  	_ = 	snop  }
0x7: {  	_ = 	snop  }
__scs_overlays_trampoline_lowered:
0x8: {  	[smem:$0x3FAC] =	sst s0  }
0x9: {  	[smem:$0x3FAD] =	sst s1  }
0xa: {  	[smem:$0x3FAE] =	sst s2  }
0xb: {  	[smem:$0x3FAF] =	sst s3  }
0xc: {  	[smem:$0x3FB0] =	sst s4  }
0xd: {  	[smem:$0x3FB1] =	sst s5  }
0xe: {  	[smem:$0x3FB2] =	sst s6  }
0xf: {  	[smem:$0x3FB3] =	sst s7  }
0x10: {  	[smem:$0x3FB4] =	sst s8  }
0x11: {  	[smem:$0x3FB5] =	sst s9;
	s0 =	simm.s32 @!p0 $0x0  }
0x12: {  	s1 =	sld [smem:$0x3F9B];
	s0 =	simm.s32 @p0 $0x1  }
0x13: {  	[smem:$0x3FB6] =	sst s0;
	s0 =	simm.s32 @!p1 $0x0  }
0x14: {  	s2 =	sld [smem:$0x3F9A];
	s0 =	simm.s32 @p1 $0x1  }
0x15: {  	[smem:$0x3FB7] =	sst s0;
	s0 =	simm.s32 @!p2 $0x0  }
0x16: {  	s3 =	sld [smem:$0x3FDB];
	s0 =	simm.s32 @p2 $0x1  }
0x17: {  	s4 =	simm.s32 $0x1BF5;
	[smem:$0x3FB9] =	sst s0  }
0x18: {  	s0 =	sld [smem:$0x3F9C];
	_ =	swait.ge [sflag:s4], $0x0  }
0x19: {  	s7 =	sld [smem:$0x3F9D]  }
0x1a: {  	s8 =	sadd.s32 $0xFFFFE003, lr  }
0x1b: {  	s9 =	sadd.s32 $0xFFFFFEF7, lr;
	s5 =	simm.s32 $0xFFFFFFFF;
	p2 =	slt.u32 s8, $0xFFFFF086  }
0x1c: {  	p1 =	slt.u32 s9, $0xF7A;
	s5 =	simm.s32 @!p2 $0x0  }
0x1d: {  	s5 =	simm.s32 @p1 $0x1;
	p0 =	seq.s32 s7, s2  }
0x1e: {  	s7 =	smul.u32 @!p0 $0xF7A, s2;
	p2 =	seq.s32 @!p0 s5, $0x0  }
0x1f: {  	s9 =	smul.u32 $0xF7A, s1;
	s8 =	simm.s32 @!p0 $0x1BF5;
	p2 =	por !p2, p0  }
0x20: {  	[sflag:s8] =	ssyncset.s32 @!p0 $0xFFFFF086;
	s6 =	sadd.s32 @!p0 s3, s7;
	s7 =	simm.s32 @!p0 $0x108  }
0x21: {  	s3 =	sadd.s32 s3, s9;
	s6 =	sadd.s32 @!p0 $0x88, s6;
	s7 =	simm.s32 @p2 $0x1082  }
0x22: {  	[simem:s7], [sflag:s8] =	dma.local @!p0 [hbm:s6], $0xF7A  }
0x23: {  	s9 =	sor.u32 $0xD0000000, s2;
	s6 =	simm.s32 $0x108;
	_ =	swait.ge @!p0 [sflag:s8], $0x0  }
0x24: {  	s3 =	sadd.s32 $0x88, s3;
	s6 =	simm.s32 @!p1 $0x1082;
	[sflag:s4] =	ssyncset.s32 $0xFFFFF086  }
0x25: {  	[simem:s6], [sflag:s4] =	dma.local [hbm:s3], $0xF7A  }
0x26: {  	[smem:$0x3F9D] =	sst s1;
	(tag) =	ssettag s2;
	_ =	strace s9  }
0x27: {  	s1 =	sld [smem:$0x3FAD]  }
0x28: {  	s2 =	sld [smem:$0x3FAE]  }
0x29: {  	s4 =	sld [smem:$0x3FB0]  }
0x2a: {  	p0 =	seq.s32 s5, $0x0;
	s5 =	sld [smem:$0x3FB1]  }
0x2b: {  	s6 =	sld [smem:$0x3FB2]  }
0x2c: {  	s7 =	sld [smem:$0x3FB3]  }
0x2d: {  	s3 =	simm.s32 $0x108;
	s8 =	sld [smem:$0x3FB4]  }
0x2e: {  	s3 =	simm.s32 @!p0 $0x1082;
	s9 =	sld [smem:$0x3FB5]  }
0x2f: {  	lr =	sadd.s32 s0, s3;
	s0 =	sld [smem:$0x3FAC]  }
0x30: {  	s3 =	sld [smem:$0x3FAF]  }
0x31: {  	[smem:$0x3FB8] =	sst s10  }
0x32: {  	s10 =	sld [smem:$0x3FB6];
	_ =	sdelay $0x3  }
0x33: {  	p0 =	seq.s32 s10, $0x1;
	s10 =	sld [smem:$0x3FB8];
	_ =	sdelay $0x3  }
0x34: {  	[smem:$0x3FB8] =	sst s10  }
0x35: {  	s10 =	sld [smem:$0x3FB7];
	_ =	sdelay $0x3  }
0x36: {  	p1 =	seq.s32 s10, $0x1;
	s10 =	sld [smem:$0x3FB8];
	_ =	sdelay $0x3  }
0x37: {  	[smem:$0x3FB8] =	sst s10  }
0x38: {  	s10 =	sld [smem:$0x3FB9]  }
0x39: {  	_ = 	snop;
	(pc) =	sbr.ind lr, $3  }
0x3a: {  	_ = 	snop  }
0x3b: {  	_ = 	snop  }
0x3c: {  	p2 =	seq.s32 s10, $0x1;
	s10 =	sld [smem:$0x3FB8]  }
0x3d: {  	_ =	shalt  }
0x3e: {  	_ =	shalt  }
0x3f: {  	_ =	shalt  }
0x40: {  	_ =	shalt  }
0x41: {  	_ =	shalt  }
0x42: {  	_ =	shalt  }
0x43: {  	_ =	shalt  }
0x44: {  	_ =	shalt  }
0x45: {  	_ =	shalt  }
0x46: {  	_ =	shalt  }
0x47: {  	_ =	shalt  }
0x48: {  	_ =	shalt  }
0x49: {  	_ =	shalt  }
0x4a: {  	_ =	shalt  }
0x4b: {  	_ =	shalt  }
0x4c: {  	_ =	shalt  }
0x4d: {  	_ =	shalt  }
0x4e: {  	_ =	shalt  }
0x4f: {  	_ =	shalt  }
0x50: {  	_ =	shalt  }
0x51: {  	_ =	shalt  }
0x52: {  	_ =	shalt  }
0x53: {  	_ =	shalt  }
0x54: {  	_ =	shalt  }
0x55: {  	_ =	shalt  }
0x56: {  	_ =	shalt  }
0x57: {  	_ =	shalt  }
0x58: {  	_ =	shalt  }
0x59: {  	_ =	shalt  }
0x5a: {  	_ =	shalt  }
0x5b: {  	_ =	shalt  }
0x5c: {  	_ =	shalt  }
0x5d: {  	_ =	shalt  }
0x5e: {  	_ =	shalt  }
0x5f: {  	_ =	shalt  }
0x60: {  	_ =	shalt  }
0x61: {  	_ =	shalt  }
0x62: {  	_ =	shalt  }
0x63: {  	_ =	shalt  }
0x64: {  	_ =	shalt  }
0x65: {  	_ =	shalt  }
0x66: {  	_ =	shalt  }
0x67: {  	_ =	shalt  }
0x68: {  	_ =	shalt  }
0x69: {  	_ =	shalt  }
0x6a: {  	_ =	shalt  }
0x6b: {  	_ =	shalt  }
0x6c: {  	_ =	shalt  }
0x6d: {  	_ =	shalt  }
0x6e: {  	_ =	shalt  }
0x6f: {  	_ =	shalt  }
0x70: {  	_ =	shalt  }
0x71: {  	_ =	shalt  }
0x72: {  	_ =	shalt  }
0x73: {  	_ =	shalt  }
0x74: {  	_ =	shalt  }
0x75: {  	_ =	shalt  }
0x76: {  	_ =	shalt  }
0x77: {  	_ =	shalt  }
0x78: {  	_ =	shalt  }
0x79: {  	_ =	shalt  }
0x7a: {  	_ =	shalt  }
0x7b: {  	_ =	shalt  }
0x7c: {  	_ =	shalt  }
0x7d: {  	_ =	shalt  }
0x7e: {  	_ =	shalt  }
0x7f: {  	_ =	shalt  }
0x80: {  	_ =	shalt  }
0x81: {  	_ =	shalt  }
0x82: {  	_ =	shalt  }
0x83: {  	_ =	shalt  }
0x84: {  	_ =	shalt  }
0x85: {  	_ =	shalt  }
0x86: {  	_ =	shalt  }
0x87: {  	_ =	shalt  }
.Lfunc_end0:
.L_simem_size_0:
called_computation_lowered:
.L_overlay_start_0:
0x88: {  	s0 =	sld [smem:$0x3FD9]  }
0x89: {  	s1 =	sld [smem:$0x3FFE];
	_ =	sdelay $0x3  }
0x8a: {  	s0 =	sadd.s32 s1, s0  }
0x8b: {  	[smem:$0x3FC4] =	sst s0  }
0x8c: {  	_ = 	snop  }
0x8d: {  	s0 =	sld [smem:$0x3FC8]  }
0x8e: {  	s17 =	sld [smem:$0x3FC7]  }
0x8f: {  	s2 =	sld [smem:$0x3FC6]  }
0x90: {  	s3 =	sld [smem:$0x3FD0];
	(tm) =	ssettm $0x1  }
0x91: {  	s4 =	sld [smem:$0x3FFB];
	_ =	sdelay $0x3  }
0x92: {  	_ =	strace s4  }
0x93: {  	s4 =	sld [smem:$0x3FFC];
	_ =	sdelay $0x3  }
0x94: {  	_ =	strace s4  }
0x95: {  	s4 =	sld [smem:$0x3FFD];
	_ =	sdelay $0x3  }
0x96: {  	_ =	strace s4  }
0x97: {  	_ =	strace $0x8FFFFFFF  }
0x98: {  	s18 =	sld [smem:$0x3FDB];
	_ =	sdelay $0x1  }
0x99: {  	s5 =	simm.s32 $_scs_section_size  }
0x9a: {  	s6 =	simm.s32 $_size__tile_overlayer_lowered;
	s7 =	simm.s32 $_tile_overlayer_lowered  }
0x9b: {  	s21 =	simm.s32 $0x1BFF;
	s20 =	sshll.u32 s7, $0x1;
	s4 =	sadd.s32 s5, s18  }
0x9c: {  	s8 =	simm.s32 $0x0;
	s19 =	sshll.u32 s6, $0x1;
	s6 =	sadd.s32 s20, s4  }
0x9d: {  	[timem:s8], [sflag:s21] =	dma.local [hbm:s6], s19  }
0x9e: {  	_ =	swait.ge [sflag:s21], s19  }
0x9f: {  	s5 =	ssub.s32 $0x0, s19;
	[sflag:s21] =	ssyncset.done $0x0  }
0xa0: {  	[sflag:s21] =	ssyncadd.s32 s5;
	_ =	sdelay $0x1  }
0xa1: {  	s22 =	simm.s32 $0x1B8B  }
0xa2: {  	_ =	swait.ge [sflag:s22], $0x1  }
0xa3: {  	[sflag:s22] =	ssyncset.done $0x0  }
0xa4: {  	s23 =	simm.s32 $0x1B8E;
	[sflag:s22] =	ssyncadd.s32 $0xFFFFFFFF  }
0xa5: {  	s24 =	simm.s32 $execute0_lowered;
	[smem:$0x3FD2] =	sst s23  }
0xa6: {  	s5 =	sshll.u32 s24, $0x1;
	_ =	strace $0x80000046;
	[dreg:$0x1] =	wrdreg $0xFFFFFFFF  }
0xa7: {  	s25 =	simm.s32 $_size_execute0_lowered;
	s4 =	sadd.s32 s4, s5;
	[dreg:$0x0] =	wrdreg $0x0  }
0xa8: {  	s5 =	sshll.u32 s25, $0x1;
	[dreg:$0x2] =	wrdreg s4  }
0xa9: {  	[dreg:$0x3] =	wrdreg s5  }
0xaa: {  	[dreg:$0x4] =	wrdreg $0xC0  }
0xab: {  	_ =	task [dreg:s8], $0x5FFFF  }
0xac: {  	[dreg:$0x1] =	wrdreg $0xFFFFFFFF  }
0xad: {  	[dreg:$0x0] =	wrdreg $0x60  }
0xae: {  	[dreg:$0x2] =	wrdreg s0  }
0xaf: {  	[dreg:$0x3] =	wrdreg s17  }
0xb0: {  	[dreg:$0x4] =	wrdreg s2  }
0xb1: {  	[dreg:$0x5] =	wrdreg s3  }
0xb2: {  	[dreg:$0x6] =	wrdreg $0x9  }
0xb3: {  	_ =	task.clear_ibuf [dreg:s8], $0x7FFFF;
	_ =	strace $0x90000046  }
0xb4: {  	s26 =	simm.s32 $0x9;
	_ =	strace $0x80000048  }
0xb5: {  	_ =	swait.ge [sflag:s26], $0x1  }
0xb6: {  	[sflag:s26] =	ssyncadd.s32 $0xFFFFFFFF  }
0xb7: {  	_ =	strace $0x90000048  }
0xb8: {  	_ =	sfence  }
0xb9: {  	s28 =	sld [smem:$0x0];
	_ =	sdelay $0x1  }
0xba: {  	s29 =	srdreg.scid  }
0xbb: {  	s30 =	sshll.u32 s29, $0xD;
	s31 =	sshrl.u32 s29, $0x2  }
0xbc: {  	s1 =	sand.u32 $0x1, s29;
	s2 =	sand.u32 $0x4000, s30;
	s0 =	sadd.s32 s31, s28  }
0xbd: {  	s1 =	sor.u32 s2, s1;
	s0 =	sshll.u32 s0, $0x11  }
0xbe: {  	s0 =	sor.u32 s0, s1  }
0xbf: {  	s0 =	sadd.s32 $0x8F2B, s0  }
0xc0: {  	[sflag:s0] =	ssyncadd.remote.s32 $0x1  }
0xc1: {  	_ =	sfence.sel $0xFFFF  }
0xc2: {  	[dreg:$0x0] =	wrdreg $0xFFFFFFFF;
	(pc) =	sbr.abs _section_cstart, $3  }
0xc3: {  	[dreg:$0x1] =	wrdreg $0xFFFFFFFF  }
0xc4: {  	_ =	task.clear_ibuf [dreg:s8], $0x2FFFF;
	_ =	strace $0x9FFFFFFF  }
0xc5: {  	(tm) =	ssettm $0x7FFFFFFF  }
tec
execute0_lowered:
.L_overlay_start_1:
0x0: {  	(tag) =	ssettag $0x1  }
0x1: {  	s2 =	stileid.u32  }
0x2: {  	p0 =	sne.s32 s2, $0x0  }
.Ltmp0:
0x3: {  	s5 =	rddreg [dreg:$0x0];
	(pc) =	sbr.rel @p0 .LBB2_2-.Ltmp0, $4  }
0x4: {  	s4 =	rddreg [dreg:$0x1]  }
0x5: {  	s3 =	rddreg [dreg:$0x2]  }
0x6: {  	s1 =	rddreg [dreg:$0x3]  }
0x7: {  	s0 =	rddreg [dreg:$0x4];
	_ =	strace $0x80000047  }
0x8: {  	s2 =	simm.s32 $0x0;
	s24 =	simm.s32 $0x4  }
0x9: {  	[tilespmem:s2], [sflag:$0x4] =	stream.linear.gather [hbm4b:s5+s2], $0x80, $0x38;
	[tilespmem:$0x1180] =	vst v63  }
0xa: {  	_ =	swait.ge [sflag:s24], $0x80  }
0xb: {  	[sflag:s24] =	ssyncset.done $0x0  }
0xc: {  	s25 =	simm.s32 $0x10;
	s6 =	simm.s32 $0x80;
	[sflag:s24] =	ssyncadd.s32 $0xFFFFFF80  }
0xd: {  	[tilespmem:s6], [sflag:$0x1] =	stream.indirect.gather [hbm4b:s4+s25], $0x80, s2, s25, $0xb8;
	[tilespmem:$0x1180] =	vst v63  }
0xe: {  	s26 =	simm.s32 $0x880;
	s28 =	simm.s32 $0x1  }
0xf: {  	[tilespmem:s26], [sflag:$0x2] =	stream.indirect.gather [hbm4b:s3+s25], $0x80, s2, s25, $0xb8;
	[tilespmem:$0x1180] =	vst v63  }
0x10: {  	_ =	swait.ge [sflag:s28], $0x800  }
0x11: {  	[sflag:s28] =	ssyncset.done $0x0  }
0x12: {  	s29 =	simm.s32 $0x2;
	[sflag:s28] =	ssyncadd.s32 $0xFFFFF800  }
0x13: {  	_ =	swait.ge [sflag:s29], $0x800  }
0x14: {  	[sflag:s29] =	ssyncset.done $0x0  }
0x15: {  	[sflag:s29] =	ssyncadd.s32 $0xFFFFF800  }
0x16: {  	v0 =	vld [tilespmem:$0x0]  }
0x17: {  	v1 =	vld [tilespmem:$0x80]  }
0x18: {  	v2 =	vld [tilespmem:$0x880]  }
0x19: {  	v3 =	vld [tilespmem:$0x90]  }
0x1a: {  	v4 =	vld [tilespmem:$0x890]  }
0x1b: {  	v39 =	vld [tilespmem:$0xA0];
	vm0 =	veq.s32 v0, $0x0  }
0x1c: {  	v5 =	vld [tilespmem:$0x8A0];
	v1 =	vsel vm0, $0x3F800000, v1  }
0x1d: {  	v41 =	vld [tilespmem:$0xB0];
	v40 =	vsel vm0, $0x0, v2;
	[tilespmem:$0x1080] =	vst v1  }
0x1e: {  	v43 =	vld [tilespmem:$0x8B0];
	v42 =	vsel vm0, $0x3F800000, v3;
	[tilespmem:$0x1100] =	vst v40  }
0x1f: {  	v45 =	vld [tilespmem:$0xC0];
	v44 =	vsel vm0, $0x0, v4;
	[tilespmem:$0x1090] =	vst v42  }
0x20: {  	v46 =	vld [tilespmem:$0x8C0];
	v0 =	vsel vm0, $0x3F800000, v39;
	[tilespmem:$0x1110] =	vst v44  }
0x21: {  	v48 =	vld [tilespmem:$0xD0];
	v47 =	vsel vm0, $0x0, v5;
	[tilespmem:$0x10A0] =	vst v0  }
0x22: {  	v50 =	vld [tilespmem:$0x8D0];
	v49 =	vsel vm0, $0x3F800000, v41;
	[tilespmem:$0x1120] =	vst v47  }
0x23: {  	v52 =	vld [tilespmem:$0xE0];
	v51 =	vsel vm0, $0x0, v43;
	[tilespmem:$0x10B0] =	vst v49  }
0x24: {  	v54 =	vld [tilespmem:$0x8E0];
	v53 =	vsel vm0, $0x3F800000, v45;
	[tilespmem:$0x1130] =	vst v51  }
0x25: {  	v56 =	vld [tilespmem:$0xF0];
	v55 =	vsel vm0, $0x0, v46;
	[tilespmem:$0x10C0] =	vst v53  }
0x26: {  	v58 =	vld [tilespmem:$0x8F0];
	v57 =	vsel vm0, $0x3F800000, v48;
	[tilespmem:$0x1140] =	vst v55  }
0x27: {  	v59 =	vsel vm0, $0x0, v50;
	[tilespmem:$0x10D0] =	vst v57  }
0x28: {  	v60 =	vsel vm0, $0x3F800000, v52;
	[tilespmem:$0x1150] =	vst v59  }
0x29: {  	v61 =	vsel vm0, $0x0, v54;
	[tilespmem:$0x10E0] =	vst v60  }
0x2a: {  	v62 =	vsel vm0, $0x3F800000, v56;
	[tilespmem:$0x1160] =	vst v61  }
0x2b: {  	v63 =	vsel vm0, $0x0, v58;
	[tilespmem:$0x10F0] =	vst v62  }
0x2c: {  	s30 =	simm.s32 $0x1080;
	s31 =	simm.s32 $0x3;
	[tilespmem:$0x1170] =	vst v63  }
0x2d: {  	[hbm4b:s1+s2] =	stream.linear.scatter [tilespmem:s30], [sflag:$0x3], $0x100, $0x38;
	[tilespmem:$0x1180] =	vst v63  }
0x2e: {  	_ =	swait.ge [sflag:s31], $0x100  }
0x2f: {  	[sflag:s31] =	ssyncset.done $0x0  }
0x30: {  	[sflag:s31] =	ssyncadd.s32 $0xFFFFFF00  }
.LBB2_2:
0x31: {  	_ =	sfence.sel $0x180000  }
0x32: {  	[bflag:$0x0] =	sbarrier.arrive $0xFFFF  }
0x33: {  	_ =	strace $0x90000047  }
0x34: {  	s0 =	sadd.s32 @!p0 $0x100000, s0;
	[bflag:$0x2] =	sbarrier.arrive $0xFFFF  }
0x35: {  	[sflag:s0] =	ssyncadd.tile.s32 @!p0 $0x1;
	_ =	shalt  }
.Lfunc_end2:
_tile_overlayer_lowered:
.L_overlay_start_2:
0x36: {  	(tag) =	ssettag $0x2  }
0x37: {  	s0 =	rddreg [dreg:$0x0];
	s2 =	stileid.u32  }
0x38: {  	s1 =	rddreg [dreg:$0x1];
	p0 =	sne.s32 s2, $0x0  }
0x39: {  	s3 =	rddreg [dreg:$0x2];
	[bflag:$0x3] =	sbarrier.arrive $0xFFFF;
	s2 =	simm.s32 @!p0 $0x1C04  }
0x3a: {  	[timem:s3], [sflag:s2] =	dma.local @!p0 [hbm:s0], s1  }
0x3b: {  	s0 =	simm.s32 @!p0 $0x4  }
0x3c: {  	_ =	swait.ge @!p0 [sflag:s0], s1  }
0x3d: {  	s1 =	ssub.s32 @!p0 $0x0, s1;
	[sflag:s0] =	ssyncset.done @!p0 $0x0  }
0x3e: {  	[sflag:s0] =	ssyncadd.s32 @!p0 s1  }
0x3f: {  	[bflag:$0x3] =	sbarrier.arrive $0xFFFF  }
0x40: {  	_ =	shalt  }

</sc_bundles>
